<compile_context>
chip_gen: v7x
topology: tpu7x:2x2x1
jax: 0.10.2.dev20260603
libtpu: 0.0.44.dev20260713+nightly
codegen_flags: <defaults>
</compile_context>

<pallas_src>
import jax
import jax.numpy as jnp
from jax.experimental import pallas as pl

NUM_EMBS = 8192
EMB_DIM = 32
BETA = 0.25
N_TOKENS = 8192
TILE = 512
GRID = N_TOKENS // TILE


def _body(x_ref, sx_ref, swr_ref, wr_ref, wneg2r_ref,
          idx_ref, zq_ref, hist_ref, loss_ref, perp_ref):
    step = pl.program_id(0)

    @pl.when(step == 0)
    def _init():
        hist_ref[...] = jnp.zeros_like(hist_ref)
        loss_ref[...] = jnp.zeros_like(loss_ref)
        perp_ref[...] = jnp.zeros_like(perp_ref)

    x = x_ref[...]

    mm2 = jax.lax.dot_general(x, wneg2r_ref[...], (((1,), (1,)), ((), ())),
                              preferred_element_type=jnp.float32)
    d = (sx_ref[...] + swr_ref[...]) + mm2

    am = jnp.argmin(d, axis=1).astype(jnp.int32)[:, None]
    idx_ref[...] = (127 - (am & 127)) * 64 + (am >> 7)

    col = jax.lax.broadcasted_iota(jnp.int32, (TILE, NUM_EMBS), 1)
    oh = (col == am).astype(jnp.float32)
    q = jax.lax.dot_general(oh, wr_ref[...], (((1,), (0,)), ((), ())),
                            preferred_element_type=jnp.float32)

    hist_ref[...] += jnp.sum(oh, axis=0)[None, :]
    zq_ref[...] = x + (q - x)
    loss_ref[...] += jnp.sum((q - x) ** 2)

    @pl.when(step == GRID - 1)
    def _fini():
        loss_ref[...] = (1.0 + BETA) * loss_ref[...] / (N_TOKENS * EMB_DIM)
        probs = hist_ref[...] / N_TOKENS
        ent = -jnp.sum(probs * jnp.log(probs + 1e-10))
        perp_ref[...] = jnp.exp(ent) * jnp.ones_like(perp_ref)


def kernel(z_e_x, W):
    B, C, H, Wd = z_e_x.shape
    x_flat = jnp.transpose(z_e_x, (0, 2, 3, 1)).reshape(-1, EMB_DIM)
    sx = jnp.sum(x_flat ** 2, axis=1, keepdims=True)
    sw = jnp.sum(W ** 2, axis=1)
    p = jnp.arange(NUM_EMBS, dtype=jnp.int32)
    inv = (127 - (p % 128)) * 64 + (p // 128)
    w_rev = W[inv]
    swr = sw[inv][None, :]
    wneg2r = -2.0 * w_rev

    idx, zq, hist, loss, perp = pl.pallas_call(
        _body,
        grid=(GRID,),
        in_specs=[
            pl.BlockSpec((TILE, EMB_DIM), lambda i: (i, 0)),
            pl.BlockSpec((TILE, 1), lambda i: (i, 0)),
            pl.BlockSpec((1, NUM_EMBS), lambda i: (0, 0)),
            pl.BlockSpec((NUM_EMBS, EMB_DIM), lambda i: (0, 0)),
            pl.BlockSpec((NUM_EMBS, EMB_DIM), lambda i: (0, 0)),
        ],
        out_specs=[
            pl.BlockSpec((TILE, 1), lambda i: (i, 0)),
            pl.BlockSpec((TILE, EMB_DIM), lambda i: (i, 0)),
            pl.BlockSpec((1, NUM_EMBS), lambda i: (0, 0)),
            pl.BlockSpec((1, 1), lambda i: (0, 0)),
            pl.BlockSpec((1, 1), lambda i: (0, 0)),
        ],
        out_shape=[
            jax.ShapeDtypeStruct((N_TOKENS, 1), jnp.int32),
            jax.ShapeDtypeStruct((N_TOKENS, EMB_DIM), jnp.float32),
            jax.ShapeDtypeStruct((1, NUM_EMBS), jnp.float32),
            jax.ShapeDtypeStruct((1, 1), jnp.float32),
            jax.ShapeDtypeStruct((1, 1), jnp.float32),
        ],
    )(x_flat, sx, swr, w_rev, wneg2r)

    z_q_x = jnp.transpose(zq.reshape(B, H, Wd, C), (0, 3, 1, 2))
    return (loss[0, 0], z_q_x, perp[0, 0], idx)

# --- scband reference (transcript-rebuilt; emitter-appended) ---
"""Pipeline reference for scband-quantizer-47115791237427 (READ-ONLY COPY).

The authoritative reference and input builder live on the scoring server;
editing this copy changes nothing except your own understanding.
"""

import jax, jax.numpy as jnp
import numpy as np

NUM_EMBS = 8192
EMB_DIM = 32
BETA = 0.25


def setup_inputs(seed: int = 0) -> dict:
    key = jax.random.key(seed)
    k1, k2 = jax.random.split(key)
    z_e_x = jax.random.normal(k1, (8, 32, 32, 32), dtype=jnp.float32)
    W = jax.random.uniform(k2, (NUM_EMBS, EMB_DIM), dtype=jnp.float32,
                           minval=-1.0 / NUM_EMBS, maxval=1.0 / NUM_EMBS)
    return {"z_e_x": z_e_x, "W": W}


def reference(z_e_x, W):
    # x = z_e_x.permute(0, 2, 3, 1)
    x = jnp.transpose(z_e_x, (0, 2, 3, 1))
    x_flat = x.reshape(-1, EMB_DIM)
    # squared L2 distances to every codebook entry
    distances = (jnp.sum(x_flat ** 2, axis=1, keepdims=True)
                 + jnp.sum(W ** 2, axis=1)
                 - 2.0 * jnp.matmul(x_flat, W.T))
    e_i_stars_idx = jnp.argmin(distances, axis=1)
    # one-hot encodings (scatter of 1s)
    encodings = jax.nn.one_hot(e_i_stars_idx, NUM_EMBS, dtype=jnp.float32)
    quantized = jnp.matmul(encodings, W).reshape(x.shape)
    # VQ losses (mse_loss = mean squared error)
    loss_q = jnp.mean((quantized - jax.lax.stop_gradient(x)) ** 2)
    loss_e = jnp.mean((jax.lax.stop_gradient(quantized) - x) ** 2)
    loss = loss_q + BETA * loss_e
    # straight-through estimator
    quantized_st = x + jax.lax.stop_gradient(quantized - x)
    z_q_x = jnp.transpose(quantized_st, (0, 3, 1, 2))
    probs = jnp.mean(encodings, axis=0)
    perplexity = jnp.exp(-jnp.sum(probs * jnp.log(probs + 1e-10)))
    return (loss, z_q_x, perplexity, e_i_stars_idx[:, None])

if __name__ == "__main__":
    import jax
    _d = setup_inputs()
    print(jax.jit(kernel)(*tuple(_d.values())))

</pallas_src>

<mosaic_0001>
module attributes {stable_mosaic.version = 14 : i64} {
  func.func @_body(%arg0: i32, %arg1: memref<512x32xf32, #tpu.memory_space<vmem>>, %arg2: memref<512x1xf32, #tpu.memory_space<vmem>>, %arg3: memref<1x8192xf32, #tpu.memory_space<vmem>>, %arg4: memref<8192x32xf32, #tpu.memory_space<vmem>>, %arg5: memref<8192x32xf32, #tpu.memory_space<vmem>>, %arg6: memref<512x1xi32, #tpu.memory_space<vmem>>, %arg7: memref<512x32xf32, #tpu.memory_space<vmem>>, %arg8: memref<1x8192xf32, #tpu.memory_space<vmem>>, %arg9: memref<1x1xf32, #tpu.memory_space<vmem>>, %arg10: memref<1x1xf32, #tpu.memory_space<vmem>>) attributes {dimension_semantics = [#tpu.dimension_semantics<arbitrary>], iteration_bounds = array<i64: 16>, scalar_prefetch = 0 : i64, scratch_operands = 0 : i64, tpu.core_type = #tpu.core_type<tc>, window_params = [{transform_indices = @transform_0, window_bounds = array<i64: 512, 32>}, {transform_indices = @transform_1, window_bounds = array<i64: 512, 1>}, {pipeline_mode = #tpu.pipeline_mode<synchronous>, transform_indices = @transform_2, window_bounds = array<i64: 1, 8192>}, {pipeline_mode = #tpu.pipeline_mode<synchronous>, transform_indices = @transform_3, window_bounds = array<i64: 8192, 32>}, {pipeline_mode = #tpu.pipeline_mode<synchronous>, transform_indices = @transform_4, window_bounds = array<i64: 8192, 32>}, {transform_indices = @transform_5, window_bounds = array<i64: 512, 1>}, {transform_indices = @transform_6, window_bounds = array<i64: 512, 32>}, {pipeline_mode = #tpu.pipeline_mode<synchronous>, transform_indices = @transform_7, window_bounds = array<i64: 1, 8192>}, {pipeline_mode = #tpu.pipeline_mode<synchronous>, transform_indices = @transform_8, window_bounds = array<i64: 1, 1>}, {pipeline_mode = #tpu.pipeline_mode<synchronous>, transform_indices = @transform_9, window_bounds = array<i64: 1, 1>}]} {
    %eq3A = arith.constant 0 : i32
    %eq3A_0 = arith.cmpi eq, %arg0, %eq3A : i32
    %convert_element_type3A = arith.extui %eq3A_0 : i1 to i32
    %cond3A = arith.constant 0 : i32
    %cond3A_1 = arith.cmpi ne, %convert_element_type3A, %cond3A : i32
    scf.if %cond3A_1 {
      %broadcast_in_dim3A_70 = arith.constant 0.000000e+00 : f32
      %broadcast_in_dim3A_71 = vector.broadcast %broadcast_in_dim3A_70 : f32 to vector<1x8192xf32>
      %swap3A_72 = arith.constant 0 : index
      %swap3A_73 = arith.constant 0 : index
      %swap3A_74 = vector.load %arg8[%swap3A_72, %swap3A_73] : memref<1x8192xf32, #tpu.memory_space<vmem>>, vector<1x8192xf32>
      tpu.vector_store %arg8[%swap3A_72, %swap3A_73], %broadcast_in_dim3A_71 {strides = array<i32>} : memref<1x8192xf32, #tpu.memory_space<vmem>>, vector<1x8192xf32>,
      %broadcast_in_dim3A_75 = arith.constant 0.000000e+00 : f32
      %broadcast_in_dim3A_76 = vector.broadcast %broadcast_in_dim3A_75 : f32 to vector<1x1xf32>
      %swap3A_77 = arith.constant 0 : index
      %swap3A_78 = arith.constant 0 : index
      %swap3A_79 = vector.load %arg9[%swap3A_77, %swap3A_78] : memref<1x1xf32, #tpu.memory_space<vmem>>, vector<1x1xf32>
      tpu.vector_store %arg9[%swap3A_77, %swap3A_78], %broadcast_in_dim3A_76 {strides = array<i32>} : memref<1x1xf32, #tpu.memory_space<vmem>>, vector<1x1xf32>,
      %broadcast_in_dim3A_80 = arith.constant 0.000000e+00 : f32
      %broadcast_in_dim3A_81 = vector.broadcast %broadcast_in_dim3A_80 : f32 to vector<1x1xf32>
      %swap3A_82 = arith.constant 0 : index
      %swap3A_83 = arith.constant 0 : index
      %swap3A_84 = vector.load %arg10[%swap3A_82, %swap3A_83] : memref<1x1xf32, #tpu.memory_space<vmem>>, vector<1x1xf32>
      tpu.vector_store %arg10[%swap3A_82, %swap3A_83], %broadcast_in_dim3A_81 {strides = array<i32>} : memref<1x1xf32, #tpu.memory_space<vmem>>, vector<1x1xf32>,
    } else {
    }
    %get3A = arith.constant 0 : index
    %get3A_2 = arith.constant 0 : index
    %get3A_3 = vector.load %arg1[%get3A, %get3A_2] : memref<512x32xf32, #tpu.memory_space<vmem>>, vector<512x32xf32>
    %get3A_4 = arith.constant 0 : index
    %get3A_5 = arith.constant 0 : index
    %get3A_6 = vector.load %arg5[%get3A_4, %get3A_5] : memref<8192x32xf32, #tpu.memory_space<vmem>>, vector<8192x32xf32>
    %dot_general3A = arith.constant dense<0.000000e+00> : vector<512x8192xf32>
    %dot_general3A_7 = tpu.matmul %get3A_3, %get3A_6, %dot_general3A {dimension_numbers = #tpu.dot_dimension_numbers<[1], [1], [0], [0], [0, 0, 1, 0], [], []>, transpose_lhs_hint = false} : vector<512x32xf32>, vector<8192x32xf32>, vector<512x8192xf32> -> vector<512x8192xf32>
    %get3A_8 = arith.constant 0 : index
    %get3A_9 = arith.constant 0 : index
    %get3A_10 = vector.load %arg2[%get3A_8, %get3A_9] : memref<512x1xf32, #tpu.memory_space<vmem>>, vector<512x1xf32>
    %get3A_11 = arith.constant 0 : index
    %get3A_12 = arith.constant 0 : index
    %get3A_13 = vector.load %arg3[%get3A_11, %get3A_12] : memref<1x8192xf32, #tpu.memory_space<vmem>>, vector<1x8192xf32>
    %add3A = vector.broadcast %get3A_10 : vector<512x1xf32> to vector<512x8192xf32>
    %add3A_14 = vector.broadcast %get3A_13 : vector<1x8192xf32> to vector<512x8192xf32>
    %add3A_15 = arith.addf %add3A, %add3A_14 : vector<512x8192xf32>
    %add3A_16 = arith.addf %add3A_15, %dot_general3A_7 : vector<512x8192xf32>
    %argmin3A = tpu.reduce_index %add3A_16 {axis = 1 : i32, kind = #tpu.reduction_kind<arg_min>} : vector<512x8192xf32> -> vector<512xi32>
    %broadcast_in_dim3A = vector.shape_cast %argmin3A : vector<512xi32> to vector<512x1xi32>
    %and3A = arith.constant 127 : i32
    %and3A_17 = vector.broadcast %and3A : i32 to vector<512x1xi32>
    %and3A_18 = arith.andi %broadcast_in_dim3A, %and3A_17 : vector<512x1xi32>
    %sub3A = arith.constant 127 : i32
    %sub3A_19 = vector.broadcast %sub3A : i32 to vector<512x1xi32>
    %sub3A_20 = arith.subi %sub3A_19, %and3A_18 : vector<512x1xi32>
    %mul3A = arith.constant 64 : i32
    %mul3A_21 = vector.broadcast %mul3A : i32 to vector<512x1xi32>
    %mul3A_22 = arith.muli %sub3A_20, %mul3A_21 : vector<512x1xi32>
    %shift_right_arithmetic3A = arith.constant 7 : i32
    %shift_right_arithmetic3A_23 = vector.broadcast %shift_right_arithmetic3A : i32 to vector<512x1xi32>
    %shift_right_arithmetic3A_24 = arith.shrsi %broadcast_in_dim3A, %shift_right_arithmetic3A_23 : vector<512x1xi32>
    %add3A_25 = arith.addi %mul3A_22, %shift_right_arithmetic3A_24 : vector<512x1xi32>
    %swap3A = arith.constant 0 : index
    %swap3A_26 = arith.constant 0 : index
    %swap3A_27 = vector.load %arg6[%swap3A, %swap3A_26] : memref<512x1xi32, #tpu.memory_space<vmem>>, vector<512x1xi32>
    tpu.vector_store %arg6[%swap3A, %swap3A_26], %add3A_25 {strides = array<i32>} : memref<512x1xi32, #tpu.memory_space<vmem>>, vector<512x1xi32>,
    %iota3A = tpu.iota {dimensions = array<i32: 1>} : vector<512x8192xi32>
    %eq3A_28 = vector.broadcast %broadcast_in_dim3A : vector<512x1xi32> to vector<512x8192xi32>
    %eq3A_29 = arith.cmpi eq, %iota3A, %eq3A_28 : vector<512x8192xi32>
    %convert_element_type3A_30 = arith.extui %eq3A_29 : vector<512x8192xi1> to vector<512x8192xi32>
    %convert_element_type3A_31 = arith.sitofp %convert_element_type3A_30 : vector<512x8192xi32> to vector<512x8192xf32>
    %get3A_32 = arith.constant 0 : index
    %get3A_33 = arith.constant 0 : index
    %get3A_34 = vector.load %arg4[%get3A_32, %get3A_33] : memref<8192x32xf32, #tpu.memory_space<vmem>>, vector<8192x32xf32>
    %dot_general3A_35 = arith.constant dense<0.000000e+00> : vector<512x32xf32>
    %dot_general3A_36 = tpu.matmul %convert_element_type3A_31, %get3A_34, %dot_general3A_35 {dimension_numbers = #tpu.dot_dimension_numbers<[1], [0], [0], [1], [0, 0, 1, 1], [], []>, transpose_lhs_hint = false} : vector<512x8192xf32>, vector<8192x32xf32>, vector<512x32xf32> -> vector<512x32xf32>
    %get3A_37 = arith.constant 0 : index
    %get3A_38 = arith.constant 0 : index
    %get3A_39 = vector.load %arg8[%get3A_37, %get3A_38] : memref<1x8192xf32, #tpu.memory_space<vmem>>, vector<1x8192xf32>
    %reduce_sum3A = arith.constant dense<0.000000e+00> : vector<8192xf32>
    %reduce_sum3A_40 = vector.multi_reduction <add>, %convert_element_type3A_31, %reduce_sum3A [0] : vector<512x8192xf32> to vector<8192xf32>
    %broadcast_in_dim3A_41 = vector.shape_cast %reduce_sum3A_40 : vector<8192xf32> to vector<1x8192xf32>
    %add3A_42 = arith.addf %get3A_39, %broadcast_in_dim3A_41 : vector<1x8192xf32>
    %swap3A_43 = arith.constant 0 : index
    %swap3A_44 = arith.constant 0 : index
    %swap3A_45 = vector.load %arg8[%swap3A_43, %swap3A_44] : memref<1x8192xf32, #tpu.memory_space<vmem>>, vector<1x8192xf32>
    tpu.vector_store %arg8[%swap3A_43, %swap3A_44], %add3A_42 {strides = array<i32>} : memref<1x8192xf32, #tpu.memory_space<vmem>>, vector<1x8192xf32>,
    %sub3A_46 = arith.subf %dot_general3A_36, %get3A_3 : vector<512x32xf32>
    %add3A_47 = arith.addf %get3A_3, %sub3A_46 : vector<512x32xf32>
    %swap3A_48 = arith.constant 0 : index
    %swap3A_49 = arith.constant 0 : index
    %swap3A_50 = vector.load %arg7[%swap3A_48, %swap3A_49] : memref<512x32xf32, #tpu.memory_space<vmem>>, vector<512x32xf32>
    tpu.vector_store %arg7[%swap3A_48, %swap3A_49], %add3A_47 {strides = array<i32>} : memref<512x32xf32, #tpu.memory_space<vmem>>, vector<512x32xf32>,
    %get3A_51 = arith.constant 0 : index
    %get3A_52 = arith.constant 0 : index
    %get3A_53 = vector.load %arg9[%get3A_51, %get3A_52] : memref<1x1xf32, #tpu.memory_space<vmem>>, vector<1x1xf32>
    %sub3A_54 = arith.subf %dot_general3A_36, %get3A_3 : vector<512x32xf32>
    %integer_pow3A = arith.mulf %sub3A_54, %sub3A_54 : vector<512x32xf32>
    %reduce_sum3A_55 = vector.shape_cast %integer_pow3A : vector<512x32xf32> to vector<1x512x32xf32>
    %reduce_sum3A_56 = arith.constant dense<0.000000e+00> : vector<1xf32>
    %reduce_sum3A_57 = vector.multi_reduction <add>, %reduce_sum3A_55, %reduce_sum3A_56 [1, 2] : vector<1x512x32xf32> to vector<1xf32>
    %reduce_sum3A_58 = vector.shape_cast %reduce_sum3A_57 : vector<1xf32> to vector<1x1x1xf32>
    %reduce_sum3A_59 = vector.extract %reduce_sum3A_58[0, 0, 0] : f32 from vector<1x1x1xf32>
    %add3A_60 = vector.broadcast %reduce_sum3A_59 : f32 to vector<1x1xf32>
    %add3A_61 = arith.addf %get3A_53, %add3A_60 : vector<1x1xf32>
    %swap3A_62 = arith.constant 0 : index
    %swap3A_63 = arith.constant 0 : index
    %swap3A_64 = vector.load %arg9[%swap3A_62, %swap3A_63] : memref<1x1xf32, #tpu.memory_space<vmem>>, vector<1x1xf32>
    tpu.vector_store %arg9[%swap3A_62, %swap3A_63], %add3A_61 {strides = array<i32>} : memref<1x1xf32, #tpu.memory_space<vmem>>, vector<1x1xf32>,
    %eq3A_65 = arith.constant 15 : i32
    %eq3A_66 = arith.cmpi eq, %arg0, %eq3A_65 : i32
    %convert_element_type3A_67 = arith.extui %eq3A_66 : i1 to i32
    %cond3A_68 = arith.constant 0 : i32
    %cond3A_69 = arith.cmpi ne, %convert_element_type3A_67, %cond3A_68 : i32
    scf.if %cond3A_69 {
      %get3A_70 = arith.constant 0 : index
      %get3A_71 = arith.constant 0 : index
      %get3A_72 = vector.load %arg9[%get3A_70, %get3A_71] : memref<1x1xf32, #tpu.memory_space<vmem>>, vector<1x1xf32>
      %mul3A_73 = arith.constant 1.250000e+00 : f32
      %mul3A_74 = vector.broadcast %mul3A_73 : f32 to vector<1x1xf32>
      %mul3A_75 = arith.mulf %mul3A_74, %get3A_72 : vector<1x1xf32>
      %div3A = arith.constant 2.621440e+05 : f32
      %div3A_76 = vector.broadcast %div3A : f32 to vector<1x1xf32>
      %div3A_77 = arith.divf %mul3A_75, %div3A_76 : vector<1x1xf32>
      %swap3A_78 = arith.constant 0 : index
      %swap3A_79 = arith.constant 0 : index
      %swap3A_80 = vector.load %arg9[%swap3A_78, %swap3A_79] : memref<1x1xf32, #tpu.memory_space<vmem>>, vector<1x1xf32>
      tpu.vector_store %arg9[%swap3A_78, %swap3A_79], %div3A_77 {strides = array<i32>} : memref<1x1xf32, #tpu.memory_space<vmem>>, vector<1x1xf32>,
      %get3A_81 = arith.constant 0 : index
      %get3A_82 = arith.constant 0 : index
      %get3A_83 = vector.load %arg8[%get3A_81, %get3A_82] : memref<1x8192xf32, #tpu.memory_space<vmem>>, vector<1x8192xf32>
      %div3A_84 = arith.constant 8.192000e+03 : f32
      %div3A_85 = vector.broadcast %div3A_84 : f32 to vector<1x8192xf32>
      %div3A_86 = arith.divf %get3A_83, %div3A_85 : vector<1x8192xf32>
      %add3A_87 = arith.constant 1.000000e-10 : f32
      %add3A_88 = vector.broadcast %add3A_87 : f32 to vector<1x8192xf32>
      %add3A_89 = arith.addf %div3A_86, %add3A_88 : vector<1x8192xf32>
      %log3A = math.log %add3A_89 : vector<1x8192xf32>
      %mul3A_90 = arith.mulf %div3A_86, %log3A : vector<1x8192xf32>
      %reduce_sum3A_91 = vector.shape_cast %mul3A_90 : vector<1x8192xf32> to vector<1x1x8192xf32>
      %reduce_sum3A_92 = arith.constant dense<0.000000e+00> : vector<1xf32>
      %reduce_sum3A_93 = vector.multi_reduction <add>, %reduce_sum3A_91, %reduce_sum3A_92 [1, 2] : vector<1x1x8192xf32> to vector<1xf32>
      %reduce_sum3A_94 = vector.shape_cast %reduce_sum3A_93 : vector<1xf32> to vector<1x1x1xf32>
      %reduce_sum3A_95 = vector.extract %reduce_sum3A_94[0, 0, 0] : f32 from vector<1x1x1xf32>
      %neg3A = arith.constant 0.000000e+00 : f32
      %neg3A_96 = arith.subf %neg3A, %reduce_sum3A_95 : f32
      %exp3A = math.exp %neg3A_96 : f32
      %broadcast_in_dim3A_97 = arith.constant 1.000000e+00 : f32
      %broadcast_in_dim3A_98 = vector.broadcast %broadcast_in_dim3A_97 : f32 to vector<1x1xf32>
      %mul3A_99 = vector.broadcast %exp3A : f32 to vector<1x1xf32>
      %mul3A_100 = arith.mulf %mul3A_99, %broadcast_in_dim3A_98 : vector<1x1xf32>
      %swap3A_101 = arith.constant 0 : index
      %swap3A_102 = arith.constant 0 : index
      %swap3A_103 = vector.load %arg10[%swap3A_101, %swap3A_102] : memref<1x1xf32, #tpu.memory_space<vmem>>, vector<1x1xf32>
      tpu.vector_store %arg10[%swap3A_101, %swap3A_102], %mul3A_100 {strides = array<i32>} : memref<1x1xf32, #tpu.memory_space<vmem>>, vector<1x1xf32>,
    } else {
    }
    return
  }
  func.func @transform_0(%arg0: i32) -> (i32, i32) {
    %c0_i32 = arith.constant 0 : i32
    %c0_i32_0 = arith.constant 0 : i32
    return %arg0, %c0_i32 : i32, i32
  }
  func.func @transform_1(%arg0: i32) -> (i32, i32) {
    %c0_i32 = arith.constant 0 : i32
    %c0_i32_0 = arith.constant 0 : i32
    return %arg0, %c0_i32 : i32, i32
  }
  func.func @transform_2(%arg0: i32) -> (i32, i32) {
    %c0_i32 = arith.constant 0 : i32
    %c0_i32_0 = arith.constant 0 : i32
    %c0_i32_1 = arith.constant 0 : i32
    return %c0_i32, %c0_i32_0 : i32, i32
  }
  func.func @transform_3(%arg0: i32) -> (i32, i32) {
    %c0_i32 = arith.constant 0 : i32
    %c0_i32_0 = arith.constant 0 : i32
    %c0_i32_1 = arith.constant 0 : i32
    return %c0_i32, %c0_i32_0 : i32, i32
  }
  func.func @transform_4(%arg0: i32) -> (i32, i32) {
    %c0_i32 = arith.constant 0 : i32
    %c0_i32_0 = arith.constant 0 : i32
    %c0_i32_1 = arith.constant 0 : i32
    return %c0_i32, %c0_i32_0 : i32, i32
  }
  func.func @transform_5(%arg0: i32) -> (i32, i32) {
    %c0_i32 = arith.constant 0 : i32
    %c0_i32_0 = arith.constant 0 : i32
    return %arg0, %c0_i32 : i32, i32
  }
  func.func @transform_6(%arg0: i32) -> (i32, i32) {
    %c0_i32 = arith.constant 0 : i32
    %c0_i32_0 = arith.constant 0 : i32
    return %arg0, %c0_i32 : i32, i32
  }
  func.func @transform_7(%arg0: i32) -> (i32, i32) {
    %c0_i32 = arith.constant 0 : i32
    %c0_i32_0 = arith.constant 0 : i32
    %c0_i32_1 = arith.constant 0 : i32
    return %c0_i32, %c0_i32_0 : i32, i32
  }
  func.func @transform_8(%arg0: i32) -> (i32, i32) {
    %c0_i32 = arith.constant 0 : i32
    %c0_i32_0 = arith.constant 0 : i32
    %c0_i32_1 = arith.constant 0 : i32
    return %c0_i32, %c0_i32_0 : i32, i32
  }
  func.func @transform_9(%arg0: i32) -> (i32, i32) {
    %c0_i32 = arith.constant 0 : i32
    %c0_i32_0 = arith.constant 0 : i32
    %c0_i32_1 = arith.constant 0 : i32
    return %c0_i32, %c0_i32_0 : i32, i32
  }
}

</mosaic_0001>

<sc_bundles>
// kernel: gather_offload_async_start.1
scs
__scs_entry_jumppad:
0x0: {  	(pc) =	sbr.rel $0x88, $3  }
0x1: {  	(tag) =	ssettag $0x0;
	lr =	simm.s32 $0x1  }
0x2: {  	[smem:$0x3F9F] =	sst lr;
	_ =	strace $0xD0000000  }
0x3: {  	_ = 	snop  }
0x4: {  	_ = 	snop  }
0x5: {  	_ = 	snop  }
0x6: {  	_ = 	snop  }
0x7: {  	_ = 	snop  }
__scs_overlays_trampoline_lowered:
0x8: {  	[smem:$0x3FAE] =	sst s0  }
0x9: {  	[smem:$0x3FAF] =	sst s1  }
0xa: {  	[smem:$0x3FB0] =	sst s2  }
0xb: {  	[smem:$0x3FB1] =	sst s3  }
0xc: {  	[smem:$0x3FB2] =	sst s4  }
0xd: {  	[smem:$0x3FB3] =	sst s5  }
0xe: {  	[smem:$0x3FB4] =	sst s6  }
0xf: {  	[smem:$0x3FB5] =	sst s7  }
0x10: {  	[smem:$0x3FB6] =	sst s8  }
0x11: {  	[smem:$0x3FB7] =	sst s9;
	s0 =	simm.s32 @!p0 $0x0  }
0x12: {  	s1 =	sld [smem:$0x3F9D];
	s0 =	simm.s32 @p0 $0x1  }
0x13: {  	[smem:$0x3FB8] =	sst s0;
	s0 =	simm.s32 @!p1 $0x0  }
0x14: {  	s2 =	sld [smem:$0x3F9C];
	s0 =	simm.s32 @p1 $0x1  }
0x15: {  	[smem:$0x3FB9] =	sst s0;
	s0 =	simm.s32 @!p2 $0x0  }
0x16: {  	s3 =	sld [smem:$0x3FDB];
	s0 =	simm.s32 @p2 $0x1  }
0x17: {  	s4 =	simm.s32 $0x1BF5;
	[smem:$0x3FBB] =	sst s0  }
0x18: {  	s0 =	sld [smem:$0x3F9E];
	_ =	swait.ge [sflag:s4], $0x0  }
0x19: {  	s7 =	sld [smem:$0x3F9F]  }
0x1a: {  	s8 =	sadd.s32 $0xFFFFE003, lr  }
0x1b: {  	s9 =	sadd.s32 $0xFFFFFEF7, lr;
	s5 =	simm.s32 $0xFFFFFFFF;
	p2 =	slt.u32 s8, $0xFFFFF086  }
0x1c: {  	p1 =	slt.u32 s9, $0xF7A;
	s5 =	simm.s32 @!p2 $0x0  }
0x1d: {  	s5 =	simm.s32 @p1 $0x1;
	p0 =	seq.s32 s7, s2  }
0x1e: {  	s7 =	smul.u32 @!p0 $0xF7A, s2;
	p2 =	seq.s32 @!p0 s5, $0x0  }
0x1f: {  	s9 =	smul.u32 $0xF7A, s1;
	s8 =	simm.s32 @!p0 $0x1BF5;
	p2 =	por !p2, p0  }
0x20: {  	[sflag:s8] =	ssyncset.s32 @!p0 $0xFFFFF086;
	s6 =	sadd.s32 @!p0 s3, s7;
	s7 =	simm.s32 @!p0 $0x108  }
0x21: {  	s3 =	sadd.s32 s3, s9;
	s6 =	sadd.s32 @!p0 $0x88, s6;
	s7 =	simm.s32 @p2 $0x1082  }
0x22: {  	[simem:s7], [sflag:s8] =	dma.local @!p0 [hbm:s6], $0xF7A  }
0x23: {  	s9 =	sor.u32 $0xD0000000, s2;
	s6 =	simm.s32 $0x108;
	_ =	swait.ge @!p0 [sflag:s8], $0x0  }
0x24: {  	s3 =	sadd.s32 $0x88, s3;
	s6 =	simm.s32 @!p1 $0x1082;
	[sflag:s4] =	ssyncset.s32 $0xFFFFF086  }
0x25: {  	[simem:s6], [sflag:s4] =	dma.local [hbm:s3], $0xF7A  }
0x26: {  	[smem:$0x3F9F] =	sst s1;
	(tag) =	ssettag s2;
	_ =	strace s9  }
0x27: {  	s1 =	sld [smem:$0x3FAF]  }
0x28: {  	s2 =	sld [smem:$0x3FB0]  }
0x29: {  	s4 =	sld [smem:$0x3FB2]  }
0x2a: {  	p0 =	seq.s32 s5, $0x0;
	s5 =	sld [smem:$0x3FB3]  }
0x2b: {  	s6 =	sld [smem:$0x3FB4]  }
0x2c: {  	s7 =	sld [smem:$0x3FB5]  }
0x2d: {  	s3 =	simm.s32 $0x108;
	s8 =	sld [smem:$0x3FB6]  }
0x2e: {  	s3 =	simm.s32 @!p0 $0x1082;
	s9 =	sld [smem:$0x3FB7]  }
0x2f: {  	lr =	sadd.s32 s0, s3;
	s0 =	sld [smem:$0x3FAE]  }
0x30: {  	s3 =	sld [smem:$0x3FB1]  }
0x31: {  	[smem:$0x3FBA] =	sst s10  }
0x32: {  	s10 =	sld [smem:$0x3FB8];
	_ =	sdelay $0x3  }
0x33: {  	p0 =	seq.s32 s10, $0x1;
	s10 =	sld [smem:$0x3FBA];
	_ =	sdelay $0x3  }
0x34: {  	[smem:$0x3FBA] =	sst s10  }
0x35: {  	s10 =	sld [smem:$0x3FB9];
	_ =	sdelay $0x3  }
0x36: {  	p1 =	seq.s32 s10, $0x1;
	s10 =	sld [smem:$0x3FBA];
	_ =	sdelay $0x3  }
0x37: {  	[smem:$0x3FBA] =	sst s10  }
0x38: {  	s10 =	sld [smem:$0x3FBB]  }
0x39: {  	_ = 	snop;
	(pc) =	sbr.ind lr, $3  }
0x3a: {  	_ = 	snop  }
0x3b: {  	_ = 	snop  }
0x3c: {  	p2 =	seq.s32 s10, $0x1;
	s10 =	sld [smem:$0x3FBA]  }
0x3d: {  	_ =	shalt  }
0x3e: {  	_ =	shalt  }
0x3f: {  	_ =	shalt  }
0x40: {  	_ =	shalt  }
0x41: {  	_ =	shalt  }
0x42: {  	_ =	shalt  }
0x43: {  	_ =	shalt  }
0x44: {  	_ =	shalt  }
0x45: {  	_ =	shalt  }
0x46: {  	_ =	shalt  }
0x47: {  	_ =	shalt  }
0x48: {  	_ =	shalt  }
0x49: {  	_ =	shalt  }
0x4a: {  	_ =	shalt  }
0x4b: {  	_ =	shalt  }
0x4c: {  	_ =	shalt  }
0x4d: {  	_ =	shalt  }
0x4e: {  	_ =	shalt  }
0x4f: {  	_ =	shalt  }
0x50: {  	_ =	shalt  }
0x51: {  	_ =	shalt  }
0x52: {  	_ =	shalt  }
0x53: {  	_ =	shalt  }
0x54: {  	_ =	shalt  }
0x55: {  	_ =	shalt  }
0x56: {  	_ =	shalt  }
0x57: {  	_ =	shalt  }
0x58: {  	_ =	shalt  }
0x59: {  	_ =	shalt  }
0x5a: {  	_ =	shalt  }
0x5b: {  	_ =	shalt  }
0x5c: {  	_ =	shalt  }
0x5d: {  	_ =	shalt  }
0x5e: {  	_ =	shalt  }
0x5f: {  	_ =	shalt  }
0x60: {  	_ =	shalt  }
0x61: {  	_ =	shalt  }
0x62: {  	_ =	shalt  }
0x63: {  	_ =	shalt  }
0x64: {  	_ =	shalt  }
0x65: {  	_ =	shalt  }
0x66: {  	_ =	shalt  }
0x67: {  	_ =	shalt  }
0x68: {  	_ =	shalt  }
0x69: {  	_ =	shalt  }
0x6a: {  	_ =	shalt  }
0x6b: {  	_ =	shalt  }
0x6c: {  	_ =	shalt  }
0x6d: {  	_ =	shalt  }
0x6e: {  	_ =	shalt  }
0x6f: {  	_ =	shalt  }
0x70: {  	_ =	shalt  }
0x71: {  	_ =	shalt  }
0x72: {  	_ =	shalt  }
0x73: {  	_ =	shalt  }
0x74: {  	_ =	shalt  }
0x75: {  	_ =	shalt  }
0x76: {  	_ =	shalt  }
0x77: {  	_ =	shalt  }
0x78: {  	_ =	shalt  }
0x79: {  	_ =	shalt  }
0x7a: {  	_ =	shalt  }
0x7b: {  	_ =	shalt  }
0x7c: {  	_ =	shalt  }
0x7d: {  	_ =	shalt  }
0x7e: {  	_ =	shalt  }
0x7f: {  	_ =	shalt  }
0x80: {  	_ =	shalt  }
0x81: {  	_ =	shalt  }
0x82: {  	_ =	shalt  }
0x83: {  	_ =	shalt  }
0x84: {  	_ =	shalt  }
0x85: {  	_ =	shalt  }
0x86: {  	_ =	shalt  }
0x87: {  	_ =	shalt  }
.Lfunc_end0:
.L_simem_size_0:
called_computation.1_lowered:
.L_overlay_start_0:
0x88: {  	s2 =	sld [smem:$0x3FD9]  }
0x89: {  	s3 =	sld [smem:$0x3FFE];
	_ =	sdelay $0x1  }
0x8a: {  	s1 =	srdreg.scid  }
0x8b: {  	s0 =	sand.u32 $0x1, s1  }
0x8c: {  	s15 =	sshll.u32 s0, $0xA;
	s2 =	sadd.s32 s3, s2  }
0x8d: {  	s2 =	sadd.s32 s2, s15  }
0x8e: {  	[smem:$0x3FC6] =	sst s2  }
0x8f: {  	_ = 	snop  }
0x90: {  	s2 =	sld [smem:$0x3FD0];
	_ =	sdelay $0x2  }
0x91: {  	s16 =	simm.s32 $0xB;
	s4 =	simm.s32 $0x10  }
0x92: {  	[smem:s4], [sflag:s16] =	dma.local [hbm:s2], $0x1  }
0x93: {  	_ =	swait.eq [sflag:s16], $0x1  }
0x94: {  	[sflag:s16] =	ssyncset.done $0x0  }
0x95: {  	[sflag:s16] =	ssyncadd.s32 $0xFFFFFFFF  }
0x96: {  	s17 =	sld [smem:$0x13];
	(tm) =	ssettm $0x1  }
0x97: {  	s18 =	sld [smem:$0x3FFB];
	_ =	sdelay $0x3  }
0x98: {  	_ =	strace s18  }
0x99: {  	s2 =	sld [smem:$0x3FFC];
	_ =	sdelay $0x3  }
0x9a: {  	_ =	strace s2  }
0x9b: {  	s2 =	sld [smem:$0x3FFD];
	_ =	sdelay $0x3  }
0x9c: {  	_ =	strace s2  }
0x9d: {  	_ =	strace $0x8FFFFFFF  }
0x9e: {  	s19 =	sld [smem:$0x3FDB];
	_ =	sdelay $0x1  }
0x9f: {  	s20 =	simm.s32 $_scs_section_size  }
0xa0: {  	s5 =	simm.s32 $_size__tile_overlayer_lowered;
	s6 =	simm.s32 $_tile_overlayer_lowered  }
0xa1: {  	s7 =	simm.s32 $0x1BFF;
	s21 =	sshll.u32 s6, $0x1;
	s4 =	sadd.s32 s20, s19  }
0xa2: {  	s22 =	simm.s32 $0x0;
	s5 =	sshll.u32 s5, $0x1;
	s6 =	sadd.s32 s21, s4  }
0xa3: {  	[timem:s22], [sflag:s7] =	dma.local [hbm:s6], s5  }
0xa4: {  	_ =	swait.ge [sflag:s7], s5  }
0xa5: {  	s5 =	ssub.s32 $0x0, s5;
	[sflag:s7] =	ssyncset.done $0x0  }
0xa6: {  	[sflag:s7] =	ssyncadd.s32 s5;
	_ =	sdelay $0x1  }
0xa7: {  	s23 =	simm.s32 $0x1B8B  }
0xa8: {  	_ =	swait.ge [sflag:s23], $0x1  }
0xa9: {  	[sflag:s23] =	ssyncset.done $0x0  }
0xaa: {  	[sflag:s23] =	ssyncadd.s32 $0xFFFFFFFF  }
0xab: {  	s5 =	sld [smem:$0x0]  }
0xac: {  	s6 =	sand.u32 $0xFFFFFFFE, s1  }
0xad: {  	p0 =	sne.s32 s1, s6  }
0xae: {  	s6 =	sshll.u32 @p0 s6, $0xE  }
0xaf: {  	s6 =	sadd.s32 @p0 $0x11B8D, s6;
	s7 =	sshll.u32 @p0 s5, $0x11  }
0xb0: {  	s6 =	sor.u32 @p0 s7, s6  }
0xb1: {  	[sflag:s6] =	ssyncadd.remote.s32 @p0 $0x1;
	_ =	sdelay $0x1  }
0xb2: {  	s6 =	simm.s32 @p0 $0x1B8D  }
0xb3: {  	_ =	swait.eq @p0 [sflag:s6], $0x1  }
0xb4: {  	[sflag:s6] =	ssyncadd.s32 @p0 $0xFFFFFFFF  }
0xb5: {  	s7 =	sshll.u32 @!p0 s1, $0xE  }
0xb6: {  	s7 =	sor.u32 @!p0 $0x4000, s7;
	s6 =	simm.s32 @!p0 $0x1B8D  }
0xb7: {  	s5 =	sshll.u32 @!p0 s5, $0x11;
	s7 =	sadd.s32 @!p0 $0x11B8D, s7;
	_ =	swait.eq @!p0 [sflag:s6], $0x1  }
0xb8: {  	s5 =	sor.u32 @!p0 s5, s7;
	[sflag:s6] =	ssyncadd.s32 @!p0 $0xFFFFFFFF  }
0xb9: {  	s25 =	simm.s32 $0x1B8E;
	s24 =	sld [smem:$0x3FFE];
	[sflag:s5] =	ssyncadd.remote.s32 @!p0 $0x1  }
0xba: {  	s26 =	simm.s32 $execute0_lowered;
	[smem:$0x3FD2] =	sst s25  }
0xbb: {  	s6 =	sshll.u32 s26, $0x1;
	_ =	strace $0x80000049;
	[dreg:$0x1] =	wrdreg $0xFFFFFFFF  }
0xbc: {  	s28 =	simm.s32 $_size_execute0_lowered;
	s4 =	sadd.s32 s4, s6;
	[dreg:$0x0] =	wrdreg $0x0  }
0xbd: {  	s6 =	sshll.u32 s28, $0x1;
	[dreg:$0x2] =	wrdreg s4  }
0xbe: {  	[dreg:$0x3] =	wrdreg s6  }
0xbf: {  	[dreg:$0x4] =	wrdreg $0xC0  }
0xc0: {  	_ =	task [dreg:s22], $0x5FFFF  }
0xc1: {  	[dreg:$0x1] =	wrdreg $0xFFFFFFFF  }
0xc2: {  	[dreg:$0x0] =	wrdreg $0x60  }
0xc3: {  	[dreg:$0x2] =	wrdreg s17  }
0xc4: {  	[dreg:$0x3] =	wrdreg s24  }
0xc5: {  	[dreg:$0x4] =	wrdreg $0xA  }
0xc6: {  	_ =	task.clear_ibuf [dreg:s22], $0x5FFFF;
	_ =	strace $0x90000049  }
0xc7: {  	s29 =	simm.s32 $0xA;
	_ =	strace $0x8000004B  }
0xc8: {  	_ =	swait.ge [sflag:s29], $0x1  }
0xc9: {  	[sflag:s29] =	ssyncadd.s32 $0xFFFFFFFF  }
0xca: {  	_ =	strace $0x9000004B  }
0xcb: {  	_ =	sfence  }
0xcc: {  	s30 =	sld [smem:$0x0];
	_ =	sdelay $0x2  }
0xcd: {  	s31 =	sshll.u32 s1, $0xD;
	s1 =	sshrl.u32 s1, $0x2  }
0xce: {  	s4 =	sand.u32 $0x4000, s31;
	s1 =	sadd.s32 s1, s30  }
0xcf: {  	s0 =	sor.u32 s4, s0;
	s1 =	sshll.u32 s1, $0x11  }
0xd0: {  	s0 =	sor.u32 s1, s0  }
0xd1: {  	s0 =	sadd.s32 $0x8F2B, s0  }
0xd2: {  	[sflag:s0] =	ssyncadd.remote.s32 $0x1  }
0xd3: {  	_ =	sfence.sel $0xFFFF  }
0xd4: {  	[dreg:$0x0] =	wrdreg $0xFFFFFFFF;
	(pc) =	sbr.abs _section_cstart, $3  }
0xd5: {  	[dreg:$0x1] =	wrdreg $0xFFFFFFFF  }
0xd6: {  	_ =	task.clear_ibuf [dreg:s22], $0x2FFFF;
	_ =	strace $0x9FFFFFFF  }
0xd7: {  	(tm) =	ssettm $0x7FFFFFFF  }
tec
execute0_lowered:
.L_overlay_start_1:
0x0: {  	(tag) =	ssettag $0x1  }
0x1: {  	s1 =	srdreg.scid;
	s2 =	rddreg [dreg:$0x0]  }
0x2: {  	s0 =	stileid.u32;
	s5 =	rddreg [dreg:$0x1];
	s6 =	simm.s32 $0x1  }
0x3: {  	s9 =	simm.s32 $0x1;
	s10 =	simm.s32 $0x3;
	s1 =	sshll.u32 s1, $0x7  }
0x4: {  	s13 =	simm.s32 $0x0;
	s3 =	sshll.u32 s0, $0x8;
	s4 =	sand.u32 $0x80, s1  }
0x5: {  	s12 =	simm.s32 $0x0;
	s1 =	rddreg [dreg:$0x2];
	s3 =	sor.u32 s3, s4  }
0x6: {  	_ =	strace $0x8000004A;
	s4 =	sadd.s32 $0x800, s5;
	s8 =	ssub.s32 $0x2000, s3  }
.Ltmp0:
0x7: {  	s5 =	sadd.s32 $0x20C00, s5;
	s7 =	sand.u32 $0xF80, s8;
	(pc) =	sbr.rel .LBB2_1-.Ltmp0, $4  }
0x8: {  	[sflag:s6] =	ssyncpa.u1 $0x0;
	s11 =	smov.u32 s3;
	p0 =	sne.s32 s7, $0x0  }
0x9: {  	s8 =	sshrl.u32 s8, $0xC;
	s7 =	simm.s32 $0x2;
	s9 =	simm.s32 @!p0 $0x0  }
0xa: {  	[sflag:s7] =	ssyncpa.u1 $0x0;
	p0 =	por $0x0, $0x0;
	s8 =	sadd.s32 s9, s8  }
0xb: {  	vm0 =	vmmov $0xffff;
	[sflag:s10] =	ssyncpa.u1 $0x0;
	s10 =	simm.s32 $0x0;
	s9 =	sadd.s32 $0x1, s8  }
.LBB2_4:
0xc: {  	v2 =	vnsel vm1, $0x0, v2  }
0xd: {  	vm1 =	vgt.s32 v0, $0x0;
	v2 =	vmin.u32 v2, $0x1FFF  }
0xe: {  	v0 =	vnsel vm1, $0x0, v0  }
0xf: {  	v0 =	vmin.u32 v0, $0x1FFF  }
0x10: {  	[tilespmem:s15], [sflag:$0x1] =	stream.indirect_vreg.gather [hbm4b:s2+s10], $0x1, v1, vm0, $0x4038;
	[tilespmem:$0x200] =	vst v63  }
0x11: {  	(ifvalue) =	ssetifvalue $0x7FFFFFFF  }
0x12: {  	[tilespmem:s16], [sflag:$0x1] =	stream.indirect_vreg.gather [hbm4b:s2+s10], $0x1, v2, vm0, $0x4038;
	[tilespmem:$0x200] =	vst v63  }
0x13: {  	s29 =	sadd.s32 $0x10, s16;
	(ifvalue) =	ssetifvalue $0x7FFFFFFF  }
0x14: {  	[tilespmem:s29], [sflag:$0x1] =	stream.indirect_vreg.gather [hbm4b:s2+s10], $0x1, v0, vm0, $0x4038;
	[tilespmem:$0x200] =	vst v63  }
0x15: {  	_ =	swait.ge [sflag:s6], $0x80  }
0x16: {  	s30 =	sshrl.u32 s13, $0x3;
	[sflag:s6] =	ssyncset.done $0x0  }
0x17: {  	s31 =	sand.u32 $0x7, s13;
	s15 =	sadd.s32 s5, s30;
	[sflag:s6] =	ssyncadd.s32 $0xFFFFFF80  }
0x18: {  	[hbm4b:s15+s31] =	stream.linear.scatter [tilespmem:s14], [sflag:$0x3], $0x80, $0x38;
	[tilespmem:$0x200] =	vst v63  }
.LBB2_5:
0x19: {  	s15 =	sadd.s32 $0x1000, s11  }
0x1a: {  	p2 =	sgt.s32 s15, $0x1FFF  }
0x1b: {  	s15 =	smov.u32 @p2 s3;
	p2 =	sne.s32 s12, s9  }
.Ltmp1:
0x1c: {  	p1 =	slt.u32 s12, $0x2;
	(pc) =	sbr.rel @!p2 .LBB2_6-.Ltmp1, $4  }
0x1d: {  	s14 =	simm.s32 @!p1 $0x3  }
0x1e: {  	s16 =	sadd.s32 $0x1, s12;
	_ =	swait.ge @!p1 [sflag:s14], $0x80  }
0x1f: {  	s13 =	smov.u32 s11;
	p0 =	por !p0, !p0;
	[sflag:s14] =	ssyncset.done @!p1 $0x0  }
0x20: {  	s12 =	smov.u32 s16;
	s11 =	smov.u32 s15;
	[sflag:s14] =	ssyncadd.s32 @!p1 $0xFFFFFF80  }
.LBB2_1:
0x21: {  	p1 =	sge.u32 s12, s8  }
0x22: {  	s14 =	sxor.u32 @!p1 $0xFFFFFFFF, s12  }
0x23: {  	s31 =	sadd.s32 $0xFFFFFFFF, s12;
	s15 =	sshrl.u32 @!p1 s11, $0x3;
	s14 =	sshll.u32 @!p1 s14, $0x7  }
0x24: {  	s16 =	sand.u32 @!p1 $0x7, s11;
	s15 =	sadd.s32 @!p1 s4, s15;
	s14 =	sand.u32 @!p1 $0x80, s14  }
0x25: {  	[tilespmem:s14], [sflag:$0x2] =	stream.linear.gather @!p1 [hbm4b:s15+s16], $0x80, $0x38;
	[tilespmem:$0x200] =	vst v63  }
0x26: {  	p1 =	sge.u32 s31, s8  }
.Ltmp2:
0x27: {  	_ = 	snop;
	(pc) =	sbr.rel @p1 .LBB2_5-.Ltmp2, $1  }
0x28: {  	_ =	sdelay $0x3  }
0x29: {  	s14 =	simm.s32 $0x1  }
0x2a: {  	_ =	swait.ge [sflag:s7], $0x80;
	s14 =	simm.s32 @!p0 $0x0  }
0x2b: {  	[sflag:s7] =	ssyncset.done $0x0;
	s14 =	sshll.u32 s14, $0x7  }
0x2c: {  	[sflag:s7] =	ssyncadd.s32 $0xFFFFFF80;
	(ifvalue) =	ssetifvalue $0x7FFFFFFF;
	v0 =	vld.msk [tilespmem:s14+$0x0 ss:$0x1], $0xffff;
	_ =	sdelay $0x4  }
0x2d: {  	s15 =	sadd.s32 $0x10, s14;
	vm1 =	vgt.s32 v0, $0x0  }
0x2e: {  	v2 =	vld.msk [tilespmem:s15+$0x0 ss:$0x1], $0xffff;
	v1 =	vnsel vm1, $0x0, v0  }
0x2f: {  	v1 =	vmin.u32 v1, $0x1FFF;
	_ =	sdelay $0x1  }
0x30: {  	s16 =	sshll.u32 s12, $0x7;
	s18 =	simm.s32 $0x20  }
0x31: {  	s16 =	sand.u32 $0x80, s16;
	s17 =	sadd.s32 $0x10, s15;
	s15 =	sor.u32 $0x100, s14  }
0x32: {  	s14 =	sor.u32 $0x100, s16;
	s16 =	sadd.s32 $0x10, s15;
	v0 =	vld.msk [tilespmem:s17+$0x0 ss:$0x1], $0xffff;
	vm1 =	vgt.s32 v2, $0x0;
	(ifvalue) =	ssetifvalue $0x7FFFFFFF  }
.LBB2_3:
0x33: {  	[tilespmem:s15], [sflag:$0x1] =	stream.indirect_vreg.gather [hbm4b:s2+s10], $0x1, v1, vm0, $0x4038;
	[tilespmem:$0x200] =	vst v63  }
0x34: {  	s18 =	sadd.s32 $0x10, s18  }
0x35: {  	v2 =	vnsel vm1, $0x0, v2;
	p1 =	slt.u32 s18, $0x70  }
.Ltmp3:
0x36: {  	s15 =	smov.u32 s16;
	v1 =	vmin.u32 v2, $0x1FFF;
	(pc) =	sbr.rel @p1 .LBB2_3-.Ltmp3, $3  }
0x37: {  	_ =	sdelay $0x1  }
0x38: {  	s17 =	sadd.s32 $0x10, s17  }
0x39: {  	vm1 =	vgt.s32 v0, $0x0;
	s16 =	sadd.s32 $0x10, s16;
	v2 =	vmov v0;
	(ifvalue) =	ssetifvalue $0x7FFFFFFF;
	v0 =	vld.msk [tilespmem:s17+$0x0 ss:$0x1], $0xffff  }
.Ltmp4:
0x3a: {  	_ = 	snop;
	(pc) =	sbr.rel .LBB2_4-.Ltmp4, $1  }
0x3b: {  	_ =	sdelay $0x3  }
.LBB2_6:
0x3c: {  	_ =	sfence.sel $0x180000  }
0x3d: {  	s2 =	simm.s32 $0x2;
	[bflag:$0x0] =	sbarrier.arrive $0xFFFF  }
0x3e: {  	s30 =	simm.s32 $0x3;
	[sflag:s2] =	ssyncpa.u1 $0x1  }
0x3f: {  	s31 =	simm.s32 $0x1;
	[sflag:s30] =	ssyncpa.u1 $0x1  }
0x40: {  	[sflag:s31] =	ssyncpa.u1 $0x1  }
0x41: {  	p0 =	sne.s32 s0, $0x0;
	_ =	strace $0x9000004A  }
0x42: {  	s0 =	sadd.s32 @!p0 $0x100000, s1;
	[bflag:$0x2] =	sbarrier.arrive $0xFFFF  }
0x43: {  	[sflag:s0] =	ssyncadd.tile.s32 @!p0 $0x1;
	_ =	shalt  }
.Lfunc_end2:
_tile_overlayer_lowered:
.L_overlay_start_2:
0x44: {  	(tag) =	ssettag $0x2  }
0x45: {  	s0 =	rddreg [dreg:$0x0];
	s2 =	stileid.u32  }
0x46: {  	s1 =	rddreg [dreg:$0x1];
	p0 =	sne.s32 s2, $0x0  }
0x47: {  	s3 =	rddreg [dreg:$0x2];
	[bflag:$0x3] =	sbarrier.arrive $0xFFFF;
	s2 =	simm.s32 @!p0 $0x1C01  }
0x48: {  	[timem:s3], [sflag:s2] =	dma.local @!p0 [hbm:s0], s1  }
0x49: {  	s0 =	simm.s32 @!p0 $0x1  }
0x4a: {  	_ =	swait.ge @!p0 [sflag:s0], s1  }
0x4b: {  	s1 =	ssub.s32 @!p0 $0x0, s1;
	[sflag:s0] =	ssyncset.done @!p0 $0x0  }
0x4c: {  	[sflag:s0] =	ssyncadd.s32 @!p0 s1  }
0x4d: {  	[bflag:$0x3] =	sbarrier.arrive $0xFFFF  }
0x4e: {  	_ =	shalt  }

// kernel: gather_offload_async_start
scs
__scs_entry_jumppad:
0x0: {  	(pc) =	sbr.rel $0x88, $3  }
0x1: {  	(tag) =	ssettag $0x0;
	lr =	simm.s32 $0x1  }
0x2: {  	[smem:$0x3F9F] =	sst lr;
	_ =	strace $0xD0000000  }
0x3: {  	_ = 	snop  }
0x4: {  	_ = 	snop  }
0x5: {  	_ = 	snop  }
0x6: {  	_ = 	snop  }
0x7: {  	_ = 	snop  }
__scs_overlays_trampoline_lowered:
0x8: {  	[smem:$0x3FAE] =	sst s0  }
0x9: {  	[smem:$0x3FAF] =	sst s1  }
0xa: {  	[smem:$0x3FB0] =	sst s2  }
0xb: {  	[smem:$0x3FB1] =	sst s3  }
0xc: {  	[smem:$0x3FB2] =	sst s4  }
0xd: {  	[smem:$0x3FB3] =	sst s5  }
0xe: {  	[smem:$0x3FB4] =	sst s6  }
0xf: {  	[smem:$0x3FB5] =	sst s7  }
0x10: {  	[smem:$0x3FB6] =	sst s8  }
0x11: {  	[smem:$0x3FB7] =	sst s9;
	s0 =	simm.s32 @!p0 $0x0  }
0x12: {  	s1 =	sld [smem:$0x3F9D];
	s0 =	simm.s32 @p0 $0x1  }
0x13: {  	[smem:$0x3FB8] =	sst s0;
	s0 =	simm.s32 @!p1 $0x0  }
0x14: {  	s2 =	sld [smem:$0x3F9C];
	s0 =	simm.s32 @p1 $0x1  }
0x15: {  	[smem:$0x3FB9] =	sst s0;
	s0 =	simm.s32 @!p2 $0x0  }
0x16: {  	s3 =	sld [smem:$0x3FDB];
	s0 =	simm.s32 @p2 $0x1  }
0x17: {  	s4 =	simm.s32 $0x1BF5;
	[smem:$0x3FBB] =	sst s0  }
0x18: {  	s0 =	sld [smem:$0x3F9E];
	_ =	swait.ge [sflag:s4], $0x0  }
0x19: {  	s7 =	sld [smem:$0x3F9F]  }
0x1a: {  	s8 =	sadd.s32 $0xFFFFE003, lr  }
0x1b: {  	s9 =	sadd.s32 $0xFFFFFEF7, lr;
	s5 =	simm.s32 $0xFFFFFFFF;
	p2 =	slt.u32 s8, $0xFFFFF086  }
0x1c: {  	p1 =	slt.u32 s9, $0xF7A;
	s5 =	simm.s32 @!p2 $0x0  }
0x1d: {  	s5 =	simm.s32 @p1 $0x1;
	p0 =	seq.s32 s7, s2  }
0x1e: {  	s7 =	smul.u32 @!p0 $0xF7A, s2;
	p2 =	seq.s32 @!p0 s5, $0x0  }
0x1f: {  	s9 =	smul.u32 $0xF7A, s1;
	s8 =	simm.s32 @!p0 $0x1BF5;
	p2 =	por !p2, p0  }
0x20: {  	[sflag:s8] =	ssyncset.s32 @!p0 $0xFFFFF086;
	s6 =	sadd.s32 @!p0 s3, s7;
	s7 =	simm.s32 @!p0 $0x108  }
0x21: {  	s3 =	sadd.s32 s3, s9;
	s6 =	sadd.s32 @!p0 $0x88, s6;
	s7 =	simm.s32 @p2 $0x1082  }
0x22: {  	[simem:s7], [sflag:s8] =	dma.local @!p0 [hbm:s6], $0xF7A  }
0x23: {  	s9 =	sor.u32 $0xD0000000, s2;
	s6 =	simm.s32 $0x108;
	_ =	swait.ge @!p0 [sflag:s8], $0x0  }
0x24: {  	s3 =	sadd.s32 $0x88, s3;
	s6 =	simm.s32 @!p1 $0x1082;
	[sflag:s4] =	ssyncset.s32 $0xFFFFF086  }
0x25: {  	[simem:s6], [sflag:s4] =	dma.local [hbm:s3], $0xF7A  }
0x26: {  	[smem:$0x3F9F] =	sst s1;
	(tag) =	ssettag s2;
	_ =	strace s9  }
0x27: {  	s1 =	sld [smem:$0x3FAF]  }
0x28: {  	s2 =	sld [smem:$0x3FB0]  }
0x29: {  	s4 =	sld [smem:$0x3FB2]  }
0x2a: {  	p0 =	seq.s32 s5, $0x0;
	s5 =	sld [smem:$0x3FB3]  }
0x2b: {  	s6 =	sld [smem:$0x3FB4]  }
0x2c: {  	s7 =	sld [smem:$0x3FB5]  }
0x2d: {  	s3 =	simm.s32 $0x108;
	s8 =	sld [smem:$0x3FB6]  }
0x2e: {  	s3 =	simm.s32 @!p0 $0x1082;
	s9 =	sld [smem:$0x3FB7]  }
0x2f: {  	lr =	sadd.s32 s0, s3;
	s0 =	sld [smem:$0x3FAE]  }
0x30: {  	s3 =	sld [smem:$0x3FB1]  }
0x31: {  	[smem:$0x3FBA] =	sst s10  }
0x32: {  	s10 =	sld [smem:$0x3FB8];
	_ =	sdelay $0x3  }
0x33: {  	p0 =	seq.s32 s10, $0x1;
	s10 =	sld [smem:$0x3FBA];
	_ =	sdelay $0x3  }
0x34: {  	[smem:$0x3FBA] =	sst s10  }
0x35: {  	s10 =	sld [smem:$0x3FB9];
	_ =	sdelay $0x3  }
0x36: {  	p1 =	seq.s32 s10, $0x1;
	s10 =	sld [smem:$0x3FBA];
	_ =	sdelay $0x3  }
0x37: {  	[smem:$0x3FBA] =	sst s10  }
0x38: {  	s10 =	sld [smem:$0x3FBB]  }
0x39: {  	_ = 	snop;
	(pc) =	sbr.ind lr, $3  }
0x3a: {  	_ = 	snop  }
0x3b: {  	_ = 	snop  }
0x3c: {  	p2 =	seq.s32 s10, $0x1;
	s10 =	sld [smem:$0x3FBA]  }
0x3d: {  	_ =	shalt  }
0x3e: {  	_ =	shalt  }
0x3f: {  	_ =	shalt  }
0x40: {  	_ =	shalt  }
0x41: {  	_ =	shalt  }
0x42: {  	_ =	shalt  }
0x43: {  	_ =	shalt  }
0x44: {  	_ =	shalt  }
0x45: {  	_ =	shalt  }
0x46: {  	_ =	shalt  }
0x47: {  	_ =	shalt  }
0x48: {  	_ =	shalt  }
0x49: {  	_ =	shalt  }
0x4a: {  	_ =	shalt  }
0x4b: {  	_ =	shalt  }
0x4c: {  	_ =	shalt  }
0x4d: {  	_ =	shalt  }
0x4e: {  	_ =	shalt  }
0x4f: {  	_ =	shalt  }
0x50: {  	_ =	shalt  }
0x51: {  	_ =	shalt  }
0x52: {  	_ =	shalt  }
0x53: {  	_ =	shalt  }
0x54: {  	_ =	shalt  }
0x55: {  	_ =	shalt  }
0x56: {  	_ =	shalt  }
0x57: {  	_ =	shalt  }
0x58: {  	_ =	shalt  }
0x59: {  	_ =	shalt  }
0x5a: {  	_ =	shalt  }
0x5b: {  	_ =	shalt  }
0x5c: {  	_ =	shalt  }
0x5d: {  	_ =	shalt  }
0x5e: {  	_ =	shalt  }
0x5f: {  	_ =	shalt  }
0x60: {  	_ =	shalt  }
0x61: {  	_ =	shalt  }
0x62: {  	_ =	shalt  }
0x63: {  	_ =	shalt  }
0x64: {  	_ =	shalt  }
0x65: {  	_ =	shalt  }
0x66: {  	_ =	shalt  }
0x67: {  	_ =	shalt  }
0x68: {  	_ =	shalt  }
0x69: {  	_ =	shalt  }
0x6a: {  	_ =	shalt  }
0x6b: {  	_ =	shalt  }
0x6c: {  	_ =	shalt  }
0x6d: {  	_ =	shalt  }
0x6e: {  	_ =	shalt  }
0x6f: {  	_ =	shalt  }
0x70: {  	_ =	shalt  }
0x71: {  	_ =	shalt  }
0x72: {  	_ =	shalt  }
0x73: {  	_ =	shalt  }
0x74: {  	_ =	shalt  }
0x75: {  	_ =	shalt  }
0x76: {  	_ =	shalt  }
0x77: {  	_ =	shalt  }
0x78: {  	_ =	shalt  }
0x79: {  	_ =	shalt  }
0x7a: {  	_ =	shalt  }
0x7b: {  	_ =	shalt  }
0x7c: {  	_ =	shalt  }
0x7d: {  	_ =	shalt  }
0x7e: {  	_ =	shalt  }
0x7f: {  	_ =	shalt  }
0x80: {  	_ =	shalt  }
0x81: {  	_ =	shalt  }
0x82: {  	_ =	shalt  }
0x83: {  	_ =	shalt  }
0x84: {  	_ =	shalt  }
0x85: {  	_ =	shalt  }
0x86: {  	_ =	shalt  }
0x87: {  	_ =	shalt  }
.Lfunc_end0:
.L_simem_size_0:
called_computation_lowered:
.L_overlay_start_0:
0x88: {  	s2 =	sld [smem:$0x3FD9]  }
0x89: {  	s3 =	sld [smem:$0x3FFE];
	_ =	sdelay $0x1  }
0x8a: {  	s1 =	srdreg.scid  }
0x8b: {  	s0 =	sand.u32 $0x1, s1  }
0x8c: {  	s14 =	sshll.u32 s0, $0xA;
	s2 =	sadd.s32 s3, s2  }
0x8d: {  	s2 =	sadd.s32 s2, s14  }
0x8e: {  	[smem:$0x3FC6] =	sst s2  }
0x8f: {  	_ = 	snop  }
0x90: {  	s2 =	sld [smem:$0x3FD0];
	_ =	sdelay $0x2  }
0x91: {  	s15 =	simm.s32 $0xB;
	s4 =	simm.s32 $0x10  }
0x92: {  	[smem:s4], [sflag:s15] =	dma.local [hbm:s2], $0x1  }
0x93: {  	_ =	swait.eq [sflag:s15], $0x1  }
0x94: {  	[sflag:s15] =	ssyncset.done $0x0  }
0x95: {  	[sflag:s15] =	ssyncadd.s32 $0xFFFFFFFF  }
0x96: {  	s16 =	sld [smem:$0x11];
	(tm) =	ssettm $0x1  }
0x97: {  	s17 =	sld [smem:$0x3FFB];
	_ =	sdelay $0x3  }
0x98: {  	_ =	strace s17  }
0x99: {  	s3 =	sld [smem:$0x3FFC];
	_ =	sdelay $0x3  }
0x9a: {  	_ =	strace s3  }
0x9b: {  	s3 =	sld [smem:$0x3FFD];
	_ =	sdelay $0x3  }
0x9c: {  	_ =	strace s3  }
0x9d: {  	_ =	strace $0x8FFFFFFF  }
0x9e: {  	s18 =	sld [smem:$0x3FDB];
	_ =	sdelay $0x1  }
0x9f: {  	s19 =	simm.s32 $_scs_section_size  }
0xa0: {  	s5 =	simm.s32 $_size__tile_overlayer_lowered;
	s6 =	simm.s32 $_tile_overlayer_lowered  }
0xa1: {  	s22 =	simm.s32 $0x1BFF;
	s21 =	sshll.u32 s6, $0x1;
	s3 =	sadd.s32 s19, s18  }
0xa2: {  	s7 =	simm.s32 $0x0;
	s20 =	sshll.u32 s5, $0x1;
	s5 =	sadd.s32 s21, s3  }
0xa3: {  	[timem:s7], [sflag:s22] =	dma.local [hbm:s5], s20  }
0xa4: {  	_ =	swait.ge [sflag:s22], s20  }
0xa5: {  	s4 =	ssub.s32 $0x0, s20;
	[sflag:s22] =	ssyncset.done $0x0  }
0xa6: {  	[sflag:s22] =	ssyncadd.s32 s4;
	_ =	sdelay $0x1  }
0xa7: {  	s23 =	simm.s32 $0x1B8B  }
0xa8: {  	_ =	swait.ge [sflag:s23], $0x1  }
0xa9: {  	[sflag:s23] =	ssyncset.done $0x0  }
0xaa: {  	s25 =	simm.s32 $0x1B8E;
	s24 =	sld [smem:$0x3FFE];
	[sflag:s23] =	ssyncadd.s32 $0xFFFFFFFF  }
0xab: {  	s26 =	simm.s32 $execute0_lowered;
	[smem:$0x3FD2] =	sst s25  }
0xac: {  	s5 =	sshll.u32 s26, $0x1;
	_ =	strace $0x80000046;
	[dreg:$0x1] =	wrdreg $0xFFFFFFFF  }
0xad: {  	s28 =	simm.s32 $_size_execute0_lowered;
	s3 =	sadd.s32 s3, s5;
	[dreg:$0x0] =	wrdreg $0x0  }
0xae: {  	s5 =	sshll.u32 s28, $0x1;
	[dreg:$0x2] =	wrdreg s3  }
0xaf: {  	[dreg:$0x3] =	wrdreg s5  }
0xb0: {  	[dreg:$0x4] =	wrdreg $0xC0  }
0xb1: {  	_ =	task [dreg:s7], $0x5FFFF  }
0xb2: {  	[dreg:$0x1] =	wrdreg $0xFFFFFFFF  }
0xb3: {  	[dreg:$0x0] =	wrdreg $0x60  }
0xb4: {  	[dreg:$0x2] =	wrdreg s16  }
0xb5: {  	[dreg:$0x3] =	wrdreg s24  }
0xb6: {  	[dreg:$0x4] =	wrdreg $0x9  }
0xb7: {  	_ =	task.clear_ibuf [dreg:s7], $0x5FFFF;
	_ =	strace $0x90000046  }
0xb8: {  	s29 =	simm.s32 $0x9;
	_ =	strace $0x80000048  }
0xb9: {  	_ =	swait.ge [sflag:s29], $0x1  }
0xba: {  	[sflag:s29] =	ssyncadd.s32 $0xFFFFFFFF  }
0xbb: {  	_ =	strace $0x90000048  }
0xbc: {  	_ =	sfence  }
0xbd: {  	s30 =	sld [smem:$0x0];
	_ =	sdelay $0x2  }
0xbe: {  	s31 =	sshll.u32 s1, $0xD;
	s1 =	sshrl.u32 s1, $0x2  }
0xbf: {  	s3 =	sand.u32 $0x4000, s31;
	s1 =	sadd.s32 s1, s30  }
0xc0: {  	s0 =	sor.u32 s3, s0;
	s1 =	sshll.u32 s1, $0x11  }
0xc1: {  	s0 =	sor.u32 s1, s0  }
0xc2: {  	s0 =	sadd.s32 $0x8F2B, s0  }
0xc3: {  	[sflag:s0] =	ssyncadd.remote.s32 $0x1  }
0xc4: {  	_ =	sfence.sel $0xFFFF  }
0xc5: {  	[dreg:$0x0] =	wrdreg $0xFFFFFFFF;
	(pc) =	sbr.abs _section_cstart, $3  }
0xc6: {  	[dreg:$0x1] =	wrdreg $0xFFFFFFFF  }
0xc7: {  	_ =	task.clear_ibuf [dreg:s7], $0x2FFFF;
	_ =	strace $0x9FFFFFFF  }
0xc8: {  	(tm) =	ssettm $0x7FFFFFFF  }
0xc9: {  	_ =	shalt  }
tec
execute0_lowered:
.L_overlay_start_1:
0x0: {  	(tag) =	ssettag $0x1  }
0x1: {  	s2 =	rddreg [dreg:$0x0]  }
0x2: {  	s7 =	rddreg [dreg:$0x1]  }
0x3: {  	s0 =	rddreg [dreg:$0x2]  }
0x4: {  	s1 =	srdreg.scid;
	_ =	strace $0x80000047;
	s4 =	simm.s32 $0x1  }
0x5: {  	s9 =	simm.s32 $0x3;
	s12 =	simm.s32 $0x0;
	s5 =	sshll.u32 s1, $0x4  }
.Ltmp0:
0x6: {  	s1 =	stileid.u32;
	s5 =	sand.u32 $0x10, s5;
	(pc) =	sbr.rel .LBB2_1-.Ltmp0, $4  }
0x7: {  	s10 =	simm.s32 $0x0;
	s3 =	sadd.s32 $0x800, s7;
	s6 =	sor.u32 s1, s5  }
0x8: {  	[sflag:s4] =	ssyncpa.u1 $0x0;
	s5 =	simm.s32 $0x2;
	s6 =	sshll.u32 s6, $0x8  }
0x9: {  	s7 =	sadd.s32 $0xC00, s7;
	[sflag:s5] =	ssyncpa.u1 $0x0;
	s8 =	sadd.s32 $0x100, s6  }
0xa: {  	vm0 =	vmmov $0xff;
	vm1 =	vcmask $0x3F20;
	[sflag:s9] =	ssyncpa.u1 $0x0;
	s9 =	simm.s32 $0x100;
	s11 =	smov.u32 s6  }
.LBB2_9:
0xb: {  	p0 =	seq.s32 s10, $0x2  }
.Ltmp1:
0xc: {  	_ = 	snop;
	(pc) =	sbr.rel @p0 .LBB2_11-.Ltmp1, $1  }
0xd: {  	_ =	sdelay $0x3  }
.LBB2_10:
0xe: {  	s12 =	sadd.s32 $0x100, s11  }
0xf: {  	s13 =	smov.u32 s6;
	p0 =	slt.s32 s12, s8  }
0x10: {  	s13 =	smov.u32 @p0 s12  }
0x11: {  	s10 =	sadd.s32 $0x1, s10;
	s12 =	smov.u32 s11;
	s11 =	smov.u32 s13  }
.LBB2_1:
0x12: {  	p0 =	sne.s32 s10, $0x0  }
.Ltmp2:
0x13: {  	_ = 	snop;
	(pc) =	sbr.rel @!p0 .LBB2_2-.Ltmp2, $1  }
0x14: {  	_ =	sdelay $0x3  }
0x15: {  	s13 =	sand.u32 $0x1, s10  }
0x16: {  	p0 =	seq.s32 s13, $0x0  }
.Ltmp3:
0x17: {  	_ = 	snop;
	(pc) =	sbr.rel @p0 .LBB2_9-.Ltmp3, $1  }
0x18: {  	_ =	sdelay $0x3  }
0x19: {  	_ =	swait.ge [sflag:s5], $0x100  }
0x1a: {  	[sflag:s5] =	ssyncset.done $0x0  }
0x1b: {  	s13 =	simm.s32 $0x0;
	[sflag:s5] =	ssyncadd.s32 $0xFFFFFF00  }
0x1c: {  	v0 =	vld.msk [tilespmem:s13+$0x100 ss:$0x1], $0xffff;
	_ =	sdelay $0x4  }
0x1d: {  	vm2 =	vgt.s32 v0, $0x0  }
0x1e: {  	v0 =	vnsel vm2, $0x0, v0  }
0x1f: {  	v0 =	vmin.u32 v0, $0x1FFF  }
0x20: {  	v0 =	vshll.u32 v0, $0x4;
	_ =	sdelay $0x3  }
0x21: {  	s13 =	simm.s32 $0x8200  }
0x22: {  	[tilespmem:s13], [sflag:$0x1] =	stream.indirect_vreg.gather [hbm:s2], $0x80, v0, vm0, $0x38;
	[tilespmem:$0x10200] =	vst v63  }
0x23: {  	s14 =	simm.s32 $0x8600;
	s31 =	simm.s32 $0x10  }
0x24: {  	[tilespmem:s14], [sflag:$0x1] =	stream.indirect_vreg.gather [hbm:s2], $0x80, v0, vm1, $0x38;
	[tilespmem:$0x10200] =	vst v63  }
0x25: {  	s14 =	simm.s32 $0x80;
	v0 =	vld.msk [tilespmem:s31+$0x100 ss:$0x1], $0xffff  }
.LBB2_5:
0x26: {  	p0 =	sne.s32 s14, $0x3C0;
	_ =	sdelay $0x4  }
0x27: {  	vm2 =	vgt.s32 v0, $0x0  }
0x28: {  	v0 =	vnsel vm2, $0x0, v0  }
0x29: {  	v0 =	vmin.u32 v0, $0x1FFF  }
0x2a: {  	v0 =	vshll.u32 v0, $0x4;
	_ =	sdelay $0x3  }
.Ltmp4:
0x2b: {  	s13 =	sadd.s32 $0x800, s13;
	(pc) =	sbr.rel @p0 .LBB2_5-.Ltmp4, $4  }
0x2c: {  	[tilespmem:s13], [sflag:$0x1] =	stream.indirect_vreg.gather [hbm:s2], $0x80, v0, vm0, $0x38;
	[tilespmem:$0x10200] =	vst v63  }
0x2d: {  	s15 =	sshra.s32 s14, $0x2;
	s16 =	sadd.s32 $0x400, s13  }
0x2e: {  	[tilespmem:s16], [sflag:$0x1] =	stream.indirect_vreg.gather [hbm:s2], $0x80, v0, vm1, $0x38;
	[tilespmem:$0x10200] =	vst v63  }
0x2f: {  	s14 =	sadd.s32 $0x40, s14;
	v0 =	vld.msk [tilespmem:s15+$0x100 ss:$0x1], $0xffff  }
0x30: {  	_ =	sdelay $0x3  }
0x31: {  	vm2 =	vgt.s32 v0, $0x0  }
0x32: {  	v0 =	vnsel vm2, $0x0, v0  }
0x33: {  	v0 =	vmin.u32 v0, $0x1FFF  }
0x34: {  	v0 =	vshll.u32 v0, $0x4;
	_ =	sdelay $0x3  }
0x35: {  	s13 =	sadd.s32 $0x800, s13  }
0x36: {  	[tilespmem:s13], [sflag:$0x1] =	stream.indirect_vreg.gather [hbm:s2], $0x80, v0, vm0, $0x38;
	[tilespmem:$0x10200] =	vst v63  }
0x37: {  	s13 =	sadd.s32 $0x400, s13  }
0x38: {  	[tilespmem:s13], [sflag:$0x1] =	stream.indirect_vreg.gather [hbm:s2], $0x80, v0, vm1, $0x38;
	[tilespmem:$0x10200] =	vst v63  }
0x39: {  	s12 =	sshll.u32 s12, $0x4;
	s14 =	simm.s32 $0x80;
	_ =	swait.ge [sflag:s4], $0x8000  }
0x3a: {  	s15 =	simm.s32 $0x8600;
	s12 =	sadd.s32 s12, s7;
	[sflag:s4] =	ssyncset.done $0x0  }
0x3b: {  	s16 =	sadd.s32 $0x0, s12;
	s13 =	simm.s32 $0x8200;
	[sflag:s4] =	ssyncadd.s32 $0xFFFF8000  }
.LBB2_7:
0x3c: {  	[hbm:s16] =	stream.linear.scatter [tilespmem:s13], [sflag:$0x3], $0x400, $0x38;
	[tilespmem:$0x10200] =	vst v63  }
0x3d: {  	s16 =	smov.u32 s14;
	s13 =	smov.u32 s15;
	p0 =	sne.s32 s14, $0xF80  }
.Ltmp5:
0x3e: {  	s14 =	sadd.s32 $0x80, s14;
	(pc) =	sbr.rel @p0 .LBB2_7-.Ltmp5, $2  }
0x3f: {  	_ =	sdelay $0x2  }
0x40: {  	s15 =	sadd.s32 $0x400, s15;
	s16 =	sadd.s32 s16, s12  }
.Ltmp6:
0x41: {  	(pc) =	sbr.rel .LBB2_9-.Ltmp6, $2  }
0x42: {  	_ =	sdelay $0x2  }
0x43: {  	[hbm:s16] =	stream.linear.scatter [tilespmem:s13], [sflag:$0x3], $0x400, $0x38;
	[tilespmem:$0x10200] =	vst v63  }
.LBB2_2:
.Ltmp7:
0x44: {  	(pc) =	sbr.rel .LBB2_10-.Ltmp7, $4  }
0x45: {  	_ = 	snop  }
0x46: {  	s12 =	sshrl.u32 s11, $0x3  }
0x47: {  	s13 =	sand.u32 $0x7, s11;
	s12 =	sadd.s32 s3, s12  }
0x48: {  	[tilespmem:s9], [sflag:$0x2] =	stream.linear.gather [hbm4b:s12+s13], $0x100, $0x38;
	[tilespmem:$0x10200] =	vst v63  }
.LBB2_11:
0x49: {  	s2 =	simm.s32 $0x3  }
0x4a: {  	_ =	swait.ge [sflag:s2], $0x8000  }
0x4b: {  	[sflag:s2] =	ssyncset.done $0x0  }
0x4c: {  	[sflag:s2] =	ssyncadd.s32 $0xFFFF8000  }
0x4d: {  	_ =	sfence.sel $0x180000  }
0x4e: {  	s3 =	simm.s32 $0x2;
	[bflag:$0x0] =	sbarrier.arrive $0xFFFF  }
0x4f: {  	[sflag:s3] =	ssyncpa.u1 $0x1  }
0x50: {  	s31 =	simm.s32 $0x1;
	[sflag:s2] =	ssyncpa.u1 $0x1  }
0x51: {  	[sflag:s31] =	ssyncpa.u1 $0x1  }
0x52: {  	p0 =	sne.s32 s1, $0x0;
	_ =	strace $0x90000047  }
0x53: {  	s0 =	sadd.s32 @!p0 $0x100000, s0;
	[bflag:$0x2] =	sbarrier.arrive $0xFFFF  }
0x54: {  	[sflag:s0] =	ssyncadd.tile.s32 @!p0 $0x1;
	_ =	shalt  }
.Lfunc_end2:
_tile_overlayer_lowered:
.L_overlay_start_2:
0x55: {  	(tag) =	ssettag $0x2  }
0x56: {  	s0 =	rddreg [dreg:$0x0];
	s2 =	stileid.u32  }
0x57: {  	s1 =	rddreg [dreg:$0x1];
	p0 =	sne.s32 s2, $0x0  }
0x58: {  	s3 =	rddreg [dreg:$0x2];
	[bflag:$0x3] =	sbarrier.arrive $0xFFFF;
	s2 =	simm.s32 @!p0 $0x1C01  }
0x59: {  	[timem:s3], [sflag:s2] =	dma.local @!p0 [hbm:s0], s1  }
0x5a: {  	s0 =	simm.s32 @!p0 $0x1  }
0x5b: {  	_ =	swait.ge @!p0 [sflag:s0], s1  }
0x5c: {  	s1 =	ssub.s32 @!p0 $0x0, s1;
	[sflag:s0] =	ssyncset.done @!p0 $0x0  }
0x5d: {  	[sflag:s0] =	ssyncadd.s32 @!p0 s1  }
0x5e: {  	[bflag:$0x3] =	sbarrier.arrive $0xFFFF  }
0x5f: {  	_ =	shalt  }

</sc_bundles>
